<compile_context>
chip_gen: v7x
topology: tpu7x:2x2x1
jax: 0.10.2.dev20260603
libtpu: 0.0.44.dev20260713+nightly
codegen_flags: <defaults>
</compile_context>

<pallas_src>
import jax
import jax.numpy as jnp
from jax.experimental import pallas as pl

_HOP = 256
_SEG = 512
_KT = 512


def _frames_kernel(x_ref, xh_ref, w_ref, o_ref):
    v3 = x_ref[...].reshape(8, _KT, _HOP)
    vh = xh_ref[...].reshape(8, 1, _HOP)
    shifted = jnp.concatenate([v3[:, 1:, :], vh], axis=1)
    o_ref[...] = jnp.concatenate(
        [v3 * w_ref[0, :], shifted * w_ref[1, :]], axis=2)


def kernel(x, analysis_window):
    batch, num_samples = x.shape
    num_chunks = num_samples // _HOP
    num_frames = (num_samples - _SEG) // _HOP + 1
    nj = num_chunks // _KT
    w2 = analysis_window.reshape(2, _HOP)

    full = pl.pallas_call(
        _frames_kernel,
        grid=(batch // 8, nj),
        in_specs=[
            pl.BlockSpec((8, _KT * _HOP), lambda i, j: (i, j)),
            pl.BlockSpec((8, _HOP),
                         lambda i, j: (i, jnp.minimum((j + 1) * _KT,
                                                      num_chunks - 1))),
            pl.BlockSpec((2, _HOP), lambda i, j: (0, 0)),
        ],
        out_specs=pl.BlockSpec((8, _KT, _SEG), lambda i, j: (i, j, 0)),
        out_shape=jax.ShapeDtypeStruct((batch, num_chunks, _SEG), x.dtype),
    )(x, x, w2)
    return full[:, :num_frames, :]

# --- scband reference (transcript-rebuilt; emitter-appended) ---
"""Pipeline reference for scband-segmenter-tensor-flow-91293824843826 (READ-ONLY COPY).

The authoritative reference and input builder live on the scoring server;
editing this copy changes nothing except your own understanding.
"""

import jax, jax.numpy as jnp
import numpy as np

HOP_SIZE = 256
SEGMENT_SIZE = 512
BATCH = 16
NUM_SAMPLES = 1048576


def setup_inputs(seed: int = 0) -> dict:
    key = jax.random.key(seed)
    k1, k2 = jax.random.split(key)
    x = jax.random.normal(k1, (BATCH, NUM_SAMPLES), dtype=jnp.float32)
    analysis_window = jax.random.uniform(k2, (SEGMENT_SIZE,), dtype=jnp.float32)
    return {"x": x, "analysis_window": analysis_window}


def reference(x, analysis_window):
    # Faithful translation of SegmenterTensorFlow.segment:
    # X[b, k, j] = x[b, k*hop + j] * analysis_window[j]
    # The TF code builds X with tensor_scatter_nd_update per segment k; the
    # mathematically identical vectorized form is a strided gather followed by
    # an elementwise window multiply (each (b,k,j) output slot is written
    # exactly once).
    hop = HOP_SIZE
    seg = SEGMENT_SIZE
    num_samples = x.shape[-1]
    num_segments = (num_samples - seg) // hop + 1
    starts = jnp.arange(num_segments, dtype=jnp.int32) * hop            # [K]
    idx = starts[:, None] + jnp.arange(seg, dtype=jnp.int32)[None, :]   # [K, S]
    frames = jnp.take(x, idx, axis=1)                                   # [B, K, S] gather
    X = frames * analysis_window[None, None, :]
    return X

if __name__ == "__main__":
    import jax
    _d = setup_inputs()
    print(jax.jit(kernel)(*tuple(_d.values())))

</pallas_src>

<mosaic_0001>
module attributes {stable_mosaic.version = 14 : i64} {
  func.func @_frames_kernel(%arg0: i32, %arg1: i32, %arg2: memref<8x131072xf32, #tpu.memory_space<vmem>>, %arg3: memref<8x256xf32, #tpu.memory_space<vmem>>, %arg4: memref<2x256xf32, #tpu.memory_space<vmem>>, %arg5: memref<8x512x512xf32, #tpu.memory_space<vmem>>) attributes {dimension_semantics = [#tpu.dimension_semantics<arbitrary>, #tpu.dimension_semantics<arbitrary>], iteration_bounds = array<i64: 2, 8>, scalar_prefetch = 0 : i64, scratch_operands = 0 : i64, tpu.core_type = #tpu.core_type<tc>, window_params = [{transform_indices = @transform_0, window_bounds = array<i64: 8, 131072>}, {transform_indices = @transform_1, window_bounds = array<i64: 8, 256>}, {pipeline_mode = #tpu.pipeline_mode<synchronous>, transform_indices = @transform_2, window_bounds = array<i64: 2, 256>}, {transform_indices = @transform_3, window_bounds = array<i64: 8, 512, 512>}]} {
    %get3A = arith.constant 0 : index
    %get3A_0 = arith.constant 0 : index
    %get3A_1 = vector.load %arg2[%get3A, %get3A_0] : memref<8x131072xf32, #tpu.memory_space<vmem>>, vector<8x131072xf32>
    %reshape3A = vector.shape_cast %get3A_1 : vector<8x131072xf32> to vector<8x512x256xf32>
    %get3A_2 = arith.constant 0 : index
    %get3A_3 = arith.constant 0 : index
    %get3A_4 = vector.load %arg3[%get3A_2, %get3A_3] : memref<8x256xf32, #tpu.memory_space<vmem>>, vector<8x256xf32>
    %reshape3A_5 = vector.shape_cast %get3A_4 : vector<8x256xf32> to vector<8x1x256xf32>
    %slice3A = vector.extract_strided_slice %reshape3A {offsets = [0, 1, 0], sizes = [8, 511, 256], strides = [1, 1, 1]} : vector<8x512x256xf32> to vector<8x511x256xf32>
    %concatenate3A = tpu.concatenate %slice3A, %reshape3A_5 in 1 : vector<8x511x256xf32>, vector<8x1x256xf32> -> vector<8x512x256xf32>
    %get3A_6 = arith.constant 0 : index
    %get3A_7 = arith.constant 0 : index
    %get3A_8 = vector.load %arg4[%get3A_6, %get3A_7] : memref<2x256xf32, #tpu.memory_space<vmem>>, vector<1x256xf32>
    %get3A_9 = vector.shape_cast %get3A_8 : vector<1x256xf32> to vector<256xf32>
    %broadcast_in_dim3A = vector.shape_cast %get3A_9 : vector<256xf32> to vector<1x1x256xf32>
    %mul3A = vector.broadcast %broadcast_in_dim3A : vector<1x1x256xf32> to vector<8x512x256xf32>
    %mul3A_10 = arith.mulf %reshape3A, %mul3A : vector<8x512x256xf32>
    %get3A_11 = arith.constant 1 : index
    %get3A_12 = arith.constant 0 : index
    %get3A_13 = vector.load %arg4[%get3A_11, %get3A_12] : memref<2x256xf32, #tpu.memory_space<vmem>>, vector<1x256xf32>
    %get3A_14 = vector.shape_cast %get3A_13 : vector<1x256xf32> to vector<256xf32>
    %broadcast_in_dim3A_15 = vector.shape_cast %get3A_14 : vector<256xf32> to vector<1x1x256xf32>
    %mul3A_16 = vector.broadcast %broadcast_in_dim3A_15 : vector<1x1x256xf32> to vector<8x512x256xf32>
    %mul3A_17 = arith.mulf %concatenate3A, %mul3A_16 : vector<8x512x256xf32>
    %concatenate3A_18 = tpu.concatenate %mul3A_10, %mul3A_17 in 2 : vector<8x512x256xf32>, vector<8x512x256xf32> -> vector<8x512x512xf32>
    %swap3A = arith.constant 0 : index
    %swap3A_19 = arith.constant 0 : index
    %swap3A_20 = arith.constant 0 : index
    %swap3A_21 = vector.load %arg5[%swap3A, %swap3A_19, %swap3A_20] : memref<8x512x512xf32, #tpu.memory_space<vmem>>, vector<8x512x512xf32>
    tpu.vector_store %arg5[%swap3A, %swap3A_19, %swap3A_20], %concatenate3A_18 {strides = array<i32>} : memref<8x512x512xf32, #tpu.memory_space<vmem>>, vector<8x512x512xf32>,
    return
  }
  func.func @transform_0(%arg0: i32, %arg1: i32) -> (i32, i32) {
    %c0_i32 = arith.constant 0 : i32
    return %arg0, %arg1 : i32, i32
  }
  func.func @transform_1(%arg0: i32, %arg1: i32) -> (i32, i32) {
    %add3A = arith.constant 1 : i32
    %add3A_0 = arith.addi %arg1, %add3A : i32
    %mul3A = arith.constant 512 : i32
    %mul3A_1 = arith.muli %add3A_0, %mul3A : i32
    %min3A = arith.constant 4095 : i32
    %min3A_2 = arith.minsi %mul3A_1, %min3A : i32
    %c0_i32 = arith.constant 0 : i32
    return %arg0, %min3A_2 : i32, i32
  }
  func.func @transform_2(%arg0: i32, %arg1: i32) -> (i32, i32) {
    %c0_i32 = arith.constant 0 : i32
    %c0_i32_0 = arith.constant 0 : i32
    %c0_i32_1 = arith.constant 0 : i32
    return %c0_i32, %c0_i32_0 : i32, i32
  }
  func.func @transform_3(%arg0: i32, %arg1: i32) -> (i32, i32, i32) {
    %c0_i32 = arith.constant 0 : i32
    %c0_i32_0 = arith.constant 0 : i32
    return %arg0, %arg1, %c0_i32 : i32, i32, i32
  }
}

</mosaic_0001>

<sc_bundles>
// kernel: sparse-core-data-format-call.cloned.1.call-start
scs
called_computation_lowered:
.L_overlay_start_0:
0x0: {  	s2 =	sld [smem:$0x3FD9]  }
0x1: {  	s3 =	sld [smem:$0x3FFE];
	_ =	sdelay $0x1  }
0x2: {  	s1 =	srdreg.scid  }
0x3: {  	s0 =	sand.u32 $0x1, s1  }
0x4: {  	s18 =	sshll.u32 s0, $0xA;
	s2 =	sadd.s32 s3, s2  }
0x5: {  	s2 =	sadd.s32 s2, s18  }
0x6: {  	[smem:$0x3FC6] =	sst s2  }
0x7: {  	_ = 	snop  }
0x8: {  	s2 =	sld [smem:$0x3FD0];
	(tm) =	ssettm $0x1  }
0x9: {  	s19 =	sld [smem:$0x3FFB];
	_ =	sdelay $0x3  }
0xa: {  	_ =	strace s19  }
0xb: {  	s3 =	sld [smem:$0x3FFC];
	_ =	sdelay $0x3  }
0xc: {  	_ =	strace s3  }
0xd: {  	s3 =	sld [smem:$0x3FFD];
	_ =	sdelay $0x3  }
0xe: {  	_ =	strace s3  }
0xf: {  	_ =	strace $0x8FFFFFFF  }
0x10: {  	s20 =	sld [smem:$0x3FDB];
	_ =	sdelay $0x1  }
0x11: {  	s4 =	simm.s32 $_scs_section_size  }
0x12: {  	s5 =	simm.s32 $_size__tile_overlayer_lowered;
	s6 =	simm.s32 $_tile_overlayer_lowered  }
0x13: {  	s23 =	simm.s32 $0x1BFF;
	s22 =	sshll.u32 s6, $0x1;
	s3 =	sadd.s32 s4, s20  }
0x14: {  	s7 =	simm.s32 $0x0;
	s21 =	sshll.u32 s5, $0x1;
	s5 =	sadd.s32 s22, s3  }
0x15: {  	[timem:s7], [sflag:s23] =	dma.local [hbm:s5], s21  }
0x16: {  	_ =	swait.ge [sflag:s23], s21  }
0x17: {  	s4 =	ssub.s32 $0x0, s21;
	[sflag:s23] =	ssyncset.done $0x0  }
0x18: {  	[sflag:s23] =	ssyncadd.s32 s4;
	_ =	sdelay $0x1  }
0x19: {  	s24 =	simm.s32 $0x1B8B  }
0x1a: {  	_ =	swait.ge [sflag:s24], $0x1  }
0x1b: {  	[sflag:s24] =	ssyncset.done $0x0  }
0x1c: {  	s26 =	simm.s32 $0x1B8E;
	s25 =	sld [smem:$0x3FFE];
	[sflag:s24] =	ssyncadd.s32 $0xFFFFFFFF  }
0x1d: {  	s27 =	simm.s32 $execute0_lowered;
	[smem:$0x3FD2] =	sst s26  }
0x1e: {  	s5 =	sshll.u32 s27, $0x1;
	_ =	strace $0x80000046;
	[dreg:$0x1] =	wrdreg $0xFFFFFFFF  }
0x1f: {  	s28 =	simm.s32 $_size_execute0_lowered;
	s3 =	sadd.s32 s3, s5;
	[dreg:$0x0] =	wrdreg $0x0  }
0x20: {  	s5 =	sshll.u32 s28, $0x1;
	[dreg:$0x2] =	wrdreg s3  }
0x21: {  	[dreg:$0x3] =	wrdreg s5  }
0x22: {  	[dreg:$0x4] =	wrdreg $0xC0  }
0x23: {  	_ =	task [dreg:s7], $0x5FFFF  }
0x24: {  	[dreg:$0x1] =	wrdreg $0xFFFFFFFF  }
0x25: {  	[dreg:$0x0] =	wrdreg $0x60  }
0x26: {  	[dreg:$0x2] =	wrdreg s25  }
0x27: {  	[dreg:$0x3] =	wrdreg s2  }
0x28: {  	[dreg:$0x4] =	wrdreg $0x9  }
0x29: {  	_ =	task.clear_ibuf [dreg:s7], $0x5FFFF;
	_ =	strace $0x90000046  }
0x2a: {  	s29 =	simm.s32 $0x9;
	_ =	strace $0x80000048  }
0x2b: {  	_ =	swait.ge [sflag:s29], $0x1  }
0x2c: {  	[sflag:s29] =	ssyncadd.s32 $0xFFFFFFFF  }
0x2d: {  	_ =	strace $0x90000048  }
0x2e: {  	_ =	sfence  }
0x2f: {  	s30 =	sld [smem:$0x0];
	_ =	sdelay $0x2  }
0x30: {  	s31 =	sshll.u32 s1, $0xD;
	s1 =	sshrl.u32 s1, $0x2  }
0x31: {  	s3 =	sand.u32 $0x4000, s31;
	s1 =	sadd.s32 s1, s30  }
0x32: {  	s0 =	sor.u32 s3, s0;
	s1 =	sshll.u32 s1, $0x11  }
0x33: {  	s0 =	sor.u32 s1, s0  }
0x34: {  	s0 =	sadd.s32 $0x8F2B, s0  }
0x35: {  	[sflag:s0] =	ssyncadd.remote.s32 $0x1  }
0x36: {  	_ =	sfence.sel $0xFFFF  }
0x37: {  	[dreg:$0x0] =	wrdreg $0xFFFFFFFF;
	(pc) =	sbr.abs _section_cstart, $3  }
0x38: {  	[dreg:$0x1] =	wrdreg $0xFFFFFFFF  }
0x39: {  	_ =	task.clear_ibuf [dreg:s7], $0x2FFFF;
	_ =	strace $0x9FFFFFFF  }
0x3a: {  	(tm) =	ssettm $0x7FFFFFFF  }
0x3b: {  	_ =	shalt  }
tec
execute0_lowered:
.L_overlay_start_1:
0x0: {  	(tag) =	ssettag $0x1  }
0x1: {  	s1 =	rddreg [dreg:$0x0]  }
0x2: {  	s2 =	rddreg [dreg:$0x1]  }
0x3: {  	s0 =	rddreg [dreg:$0x2];
	_ =	strace $0x80000047;
	s4 =	srdreg.scid  }
0x4: {  	s6 =	simm.s32 $0x2;
	s14 =	simm.s32 $0x0;
	p0 =	por $0x0, $0x0  }
0x5: {  	s16 =	simm.s32 $0x0;
	s15 =	simm.s32 $0x0;
	s7 =	simm.s32 $0x0  }
.Ltmp0:
0x6: {  	s9 =	simm.s32 $0x0;
	s10 =	simm.s32 $0x0;
	(pc) =	sbr.rel .LBB1_1-.Ltmp0, $4  }
0x7: {  	s11 =	simm.s32 $0x0;
	s13 =	stileid.u32;
	s8 =	simm.s32 $0x0  }
0x8: {  	s3 =	sadd.s32 $0x400, s1;
	s5 =	sshll.u32 s4, $0x7;
	s4 =	simm.s32 $0x1  }
0x9: {  	s1 =	stileid.u32;
	s5 =	sand.u32 $0x80, s5;
	[sflag:s4] =	ssyncpa.u1 $0x0  }
0xa: {  	[sflag:s6] =	ssyncpa.u1 $0x0;
	s6 =	simm.s32 $0x2000;
	s12 =	smov.u32 s5  }
.LBB1_5:
0xb: {  	p1 =	slt.u32 s8, $0x2  }
0xc: {  	s17 =	smov.u32 s16;
	p2 =	sgt.s32 @!p1 s16, $0xF7F  }
0xd: {  	s18 =	sshra.s32 @!p1 s16, $0x1F;
	s19 =	sshra.s32 @!p1 s15, $0x1F;
	p2 =	por !p2, p1  }
0xe: {  	s16 =	sand.u32 @!p1 s18, s16;
	s17 =	simm.s32 @p2 $0xF7F;
	p2 =	sgt.s32 @!p1 s15, $0xF  }
0xf: {  	s18 =	smov.u32 s15;
	p2 =	por !p2, p1;
	s16 =	ssub.s32 @!p1 s17, s16  }
0x10: {  	s15 =	sand.u32 @!p1 s19, s15;
	s18 =	simm.s32 @p2 $0xF;
	s17 =	sadd.s32 @!p1 $0xFFFFF081, s16  }
0x11: {  	p2 =	sgt.s32 @!p1 s14, $0x180;
	s15 =	ssub.s32 @!p1 s18, s15;
	p3 =	sgt.s32 @!p1 s17, $0x7F  }
0x12: {  	p2 =	por !p2, p1;
	s18 =	smov.u32 s14;
	s17 =	sadd.s32 @!p1 $0xFFFFFFF1, s15  }
0x13: {  	s18 =	simm.s32 @p2 $0x180;
	p2 =	sgt.s32 @!p1 s17, $0x0;
	s17 =	sshra.s32 @!p1 s14, $0x1F  }
0x14: {  	s16 =	ssub.s32 @!p1 $0xFFF, s16;
	p3 =	por !p3, p1;
	s14 =	sand.u32 @!p1 s17, s14  }
0x15: {  	s15 =	ssub.s32 @!p1 $0x10, s15;
	p2 =	por !p2, p1;
	s14 =	ssub.s32 @!p1 s18, s14  }
0x16: {  	s16 =	simm.s32 @!p3 $0x0;
	s15 =	simm.s32 @!p2 $0x0;
	s17 =	sadd.s32 @!p1 $0xFFFFFE80, s14  }
0x17: {  	s18 =	smov.u32 s12;
	s15 =	smul.u32 @!p1 s15, s16;
	p2 =	sgt.s32 @!p1 s17, $0x7F  }
0x18: {  	s14 =	ssub.s32 @!p1 $0x200, s14;
	s17 =	sadd.s32 $0x80, s11;
	p2 =	por !p2, p1  }
0x19: {  	s16 =	sadd.s32 $0x100, s12;
	s14 =	simm.s32 @!p2 $0x0;
	p2 =	sgt.s32 s17, $0x1FF  }
0x1a: {  	s19 =	smov.u32 s13;
	s18 =	smov.u32 @p2 s16  }
0x1b: {  	s14 =	smul.u32 @!p1 s14, s15;
	s15 =	sadd.s32 $0x10, s13;
	p3 =	sgt.s32 s18, $0xFFE  }
0x1c: {  	s8 =	sadd.s32 $0x1, s8;
	p0 =	por !p0, !p0;
	s19 =	smov.u32 @p3 s15  }
0x1d: {  	s20 =	simm.s32 @!p1 $0x2;
	s17 =	simm.s32 @p2 $0x0;
	p2 =	sgt.s32 s19, $0xF  }
0x1e: {  	s16 =	smov.u32 s9;
	s19 =	smov.u32 @p2 s1;
	p2 =	sne.s32 s8, $0x42  }
.Ltmp1:
0x1f: {  	s9 =	smov.u32 s12;
	s14 =	sand.u32 @!p1 $0x3FFFFFFF, s14;
	(pc) =	sbr.rel @!p2 .LBB1_6-.Ltmp1, $4  }
0x20: {  	s18 =	smov.u32 @p3 s5;
	s15 =	smov.u32 s10;
	s10 =	smov.u32 s13  }
0x21: {  	_ =	swait.ge @!p1 [sflag:s20], s14;
	s21 =	ssub.s32 @!p1 $0x0, s14;
	s14 =	smov.u32 s7  }
0x22: {  	s7 =	smov.u32 s11;
	s11 =	smov.u32 s17;
	[sflag:s20] =	ssyncset.done @!p1 $0x0  }
0x23: {  	s12 =	smov.u32 s18;
	[sflag:s20] =	ssyncadd.s32 @!p1 s21;
	s13 =	smov.u32 s19  }
.LBB1_1:
0x24: {  	p1 =	sgt.u32 s8, $0x3F  }
0x25: {  	s17 =	sxor.u32 @!p1 $0xFFFFFFFF, s8  }
0x26: {  	s18 =	sshll.u32 @!p1 s12, $0x9;
	s19 =	sshll.u32 @!p1 s11, $0x3;
	s20 =	sshll.u32 @!p1 s12, $0x7  }
0x27: {  	s21 =	sand.u32 @!p1 $0x78, s11;
	s18 =	sand.u32 @!p1 $0x1FF000, s18;
	s19 =	sand.u32 @!p1 $0x1FFC00, s19  }
0x28: {  	s17 =	sshll.u32 @!p1 s17, $0xE;
	s18 =	sadd.s32 @!p1 s18, s19;
	s19 =	sand.u32 @!p1 $0x200, s20  }
0x29: {  	s17 =	sand.u32 @!p1 $0x4000, s17;
	s18 =	sor.u32 @!p1 s19, s18;
	s19 =	sand.u32 @!p1 $0x180, s20  }
0x2a: {  	s20 =	sshll.u32 @!p1 s13, $0x12;
	s19 =	sor.u32 @!p1 s21, s19;
	s18 =	sshrl.u32 @!p1 s18, $0x3  }
0x2b: {  	s20 =	sadd.s32 @!p1 s3, s20;
	s21 =	sand.u32 @!p1 $0x7, s11;
	s19 =	sshrl.u32 @!p1 s19, $0x3  }
0x2c: {  	s18 =	sand.u32 @!p1 $0x3FFC0, s18;
	s19 =	sadd.s32 @!p1 s19, s20;
	s20 =	sshll.u32 @!p1 s21, $0x12  }
0x2d: {  	s18 =	sadd.s32 @!p1 s18, s19;
	s19 =	sor.u32 @!p1 $0x400, s20;
	s20 =	simm.s32 @!p1 $0x1000  }
0x2e: {  	[tilespmem:s17], [sflag:$0x1] =	stream.strided.gather @!p1 [hbm4b:s18+s19], $0x4000, s20, s19, $0x38;
	[tilespmem:$0x10000] =	vst v63  }
0x2f: {  	p1 =	seq.s32 s8, $0x0  }
0x30: {  	p2 =	seq.s32 @!p1 s8, $0x41  }
0x31: {  	p1 =	por p1, p2  }
.Ltmp2:
0x32: {  	_ = 	snop;
	(pc) =	sbr.rel @p1 .LBB1_5-.Ltmp2, $1  }
0x33: {  	_ =	sdelay $0x3  }
0x34: {  	s17 =	simm.s32 $0x1  }
0x35: {  	s17 =	simm.s32 @!p0 $0x0  }
0x36: {  	s17 =	sshll.u32 s17, $0xE  }
0x37: {  	s18 =	sor.u32 $0x40, s17  }
0x38: {  	v1 =	vmov s18;
	_ =	sdelay $0x1  }
0x39: {  	_ =	swait.ge [sflag:s4], $0x4000  }
0x3a: {  	[sflag:s4] =	ssyncset.done $0x0  }
0x3b: {  	s19 =	simm.s32 $0x0;
	[sflag:s4] =	ssyncadd.s32 $0xFFFFC000  }
0x3c: {  	s17 =	sor.u32 $0x8070, s17;
	v4 =	vld.idx.msk [tilespmem:v1+s19+$0x30 ss:$0x1], $0xffff  }
0x3d: {  	v0 =	vmov s17;
	v8 =	vld.idx.msk [tilespmem:v1+s19+$0xFFFFFFC0 ss:$0x1], $0xffff  }
0x3e: {  	v7 =	vld.idx.msk [tilespmem:v1+s19+$0xFFFFFFD0 ss:$0x1], $0xffff  }
0x3f: {  	v6 =	vld.idx.msk [tilespmem:v1+s19+$0xFFFFFFE0 ss:$0x1], $0xffff  }
0x40: {  	v5 =	vld.idx.msk [tilespmem:v1+s19+$0xFFFFFFF0 ss:$0x1], $0xffff  }
0x41: {  	s31 =	sshll.u32 s8, $0xE;
	v3 =	vld.idx.msk [tilespmem:v1+s19+$0x0 ss:$0x1], $0xffff  }
0x42: {  	s17 =	sand.u32 $0x4000, s31;
	v2 =	vld.idx.msk [tilespmem:v1+s19+$0x10 ss:$0x1], $0xffff;
	[tilespmem:v0+s19+$0x0 ss:$0x1] =	vst.idx.msk $0xffff, v4  }
0x43: {  	s20 =	simm.s32 $0x400;
	s18 =	simm.s32 $0x80;
	s17 =	sor.u32 $0x8000, s17;
	[tilespmem:v0+s19+$0xFFFFFF90 ss:$0x1] =	vst.idx.msk $0xffff, v8;
	v4 =	vld.idx.msk [tilespmem:v1+s19+$0x20 ss:$0x1], $0xffff  }
.LBB1_3:
0x44: {  	p1 =	sne.s32 s20, $0xFE00;
	v8 =	vld.idx.msk [tilespmem:v1+s18+$0x30 ss:$0x1], $0xffff;
	[tilespmem:v0+s19+$0xFFFFFFA0 ss:$0x1] =	vst.idx.msk $0xffff, v7  }
0x45: {  	v9 =	vld.idx.msk [tilespmem:v1+s18+$0xFFFFFFC0 ss:$0x1], $0xffff;
	[tilespmem:v0+s19+$0xFFFFFFB0 ss:$0x1] =	vst.idx.msk $0xffff, v6  }
0x46: {  	v7 =	vld.idx.msk [tilespmem:v1+s18+$0xFFFFFFD0 ss:$0x1], $0xffff;
	[tilespmem:v0+s19+$0xFFFFFFC0 ss:$0x1] =	vst.idx.msk $0xffff, v5  }
.Ltmp3:
0x47: {  	v6 =	vld.idx.msk [tilespmem:v1+s18+$0xFFFFFFE0 ss:$0x1], $0xffff;
	[tilespmem:v0+s19+$0xFFFFFFD0 ss:$0x1] =	vst.idx.msk $0xffff, v3;
	(pc) =	sbr.rel @p1 .LBB1_3-.Ltmp3, $4  }
0x48: {  	v5 =	vld.idx.msk [tilespmem:v1+s18+$0xFFFFFFF0 ss:$0x1], $0xffff;
	[tilespmem:v0+s19+$0xFFFFFFE0 ss:$0x1] =	vst.idx.msk $0xffff, v2  }
0x49: {  	v3 =	vld.idx.msk [tilespmem:v1+s18+$0x0 ss:$0x1], $0xffff;
	[tilespmem:v0+s19+$0xFFFFFFF0 ss:$0x1] =	vst.idx.msk $0xffff, v4;
	s19 =	smov.u32 s18  }
0x4a: {  	v2 =	vld.idx.msk [tilespmem:v1+s19+$0x10 ss:$0x1], $0xffff;
	[tilespmem:v0+s19+$0x0 ss:$0x1] =	vst.idx.msk $0xffff, v8  }
0x4b: {  	s18 =	sshra.s32 s20, $0x2;
	s20 =	sadd.s32 $0x200, s20;
	[tilespmem:v0+s19+$0xFFFFFF90 ss:$0x1] =	vst.idx.msk $0xffff, v9;
	v4 =	vld.idx.msk [tilespmem:v1+s19+$0x20 ss:$0x1], $0xffff  }
0x4c: {  	p1 =	sgt.s32 s9, $0xF7F  }
0x4d: {  	s20 =	smov.u32 s9;
	s21 =	sshra.s32 s9, $0x1F;
	s23 =	sshra.s32 s10, $0x1F  }
0x4e: {  	s24 =	smov.u32 s7;
	s25 =	sshra.s32 s7, $0x1F;
	s28 =	sshll.u32 s10, $0x9  }
0x4f: {  	s29 =	sshll.u32 s7, $0x3;
	s20 =	simm.s32 @!p1 $0xF7F;
	s21 =	sand.u32 s21, s9  }
0x50: {  	p1 =	sgt.s32 s10, $0xF;
	s26 =	sand.u32 s23, s10;
	s23 =	sand.u32 $0x78, s7  }
0x51: {  	[tilespmem:v0+s19+$0xFFFFFFA0 ss:$0x1] =	vst.idx.msk $0xffff, v7;
	s27 =	sand.u32 s25, s7;
	s30 =	sand.u32 $0x1000, s28;
	s25 =	sshll.u32 s10, $0x7  }
0x52: {  	v56 =	vld.idx.msk [tilespmem:v1+s18+$0x30 ss:$0x1], $0xffff;
	[tilespmem:v0+s19+$0xFFFFFFB0 ss:$0x1] =	vst.idx.msk $0xffff, v6;
	s28 =	sand.u32 $0x7, s7;
	s20 =	ssub.s32 s20, s21;
	s21 =	smov.u32 s10  }
0x53: {  	v57 =	vld.idx.msk [tilespmem:v1+s18+$0xFFFFFFC0 ss:$0x1], $0xffff;
	[tilespmem:v0+s19+$0xFFFFFFC0 ss:$0x1] =	vst.idx.msk $0xffff, v5;
	s22 =	sadd.s32 $0xFFFFF081, s20;
	s21 =	simm.s32 @!p1 $0xF;
	s20 =	ssub.s32 $0xFFF, s20  }
0x54: {  	v58 =	vld.idx.msk [tilespmem:v1+s18+$0xFFFFFFD0 ss:$0x1], $0xffff;
	[tilespmem:v0+s19+$0xFFFFFFD0 ss:$0x1] =	vst.idx.msk $0xffff, v3;
	p1 =	sgt.s32 s22, $0x7F;
	s21 =	ssub.s32 s21, s26;
	s26 =	sand.u32 $0x200, s25  }
0x55: {  	v59 =	vld.idx.msk [tilespmem:v1+s18+$0xFFFFFFE0 ss:$0x1], $0xffff;
	[tilespmem:v0+s19+$0xFFFFFFE0 ss:$0x1] =	vst.idx.msk $0xffff, v2;
	s20 =	simm.s32 @p1 $0x0;
	s22 =	sadd.s32 $0xFFFFFFF1, s21;
	p1 =	sgt.s32 s7, $0x180  }
0x56: {  	v60 =	vld.idx.msk [tilespmem:v1+s18+$0xFFFFFFF0 ss:$0x1], $0xffff;
	[tilespmem:v0+s19+$0xFFFFFFF0 ss:$0x1] =	vst.idx.msk $0xffff, v4;
	s21 =	ssub.s32 $0x10, s21;
	s24 =	simm.s32 @!p1 $0x180;
	p1 =	sgt.s32 s22, $0x0  }
0x57: {  	v61 =	vld.idx.msk [tilespmem:v1+s18+$0x0 ss:$0x1], $0xffff;
	[tilespmem:v0+s18+$0x0 ss:$0x1] =	vst.idx.msk $0xffff, v56;
	s22 =	ssub.s32 s24, s27;
	s24 =	sand.u32 $0x1C00, s29;
	s21 =	simm.s32 @p1 $0x0  }
0x58: {  	v62 =	vld.idx.msk [tilespmem:v1+s18+$0x10 ss:$0x1], $0xffff;
	[tilespmem:v0+s18+$0xFFFFFF90 ss:$0x1] =	vst.idx.msk $0xffff, v57;
	s27 =	sshll.u32 s9, $0xA;
	s19 =	sadd.s32 s30, s24;
	s31 =	sadd.s32 $0xFFFFFE80, s22  }
0x59: {  	v63 =	vld.idx.msk [tilespmem:v1+s18+$0x20 ss:$0x1], $0xffff;
	[tilespmem:v0+s18+$0xFFFFFFA0 ss:$0x1] =	vst.idx.msk $0xffff, v58;
	s20 =	smul.u32 s21, s20;
	s21 =	sand.u32 $0x180, s25;
	s22 =	ssub.s32 $0x200, s22  }
0x5a: {  	[tilespmem:v0+s18+$0xFFFFFFB0 ss:$0x1] =	vst.idx.msk $0xffff, v59;
	p1 =	sgt.s32 s31, $0x7F;
	s19 =	sor.u32 s26, s19;
	s21 =	sor.u32 s21, s23  }
.Ltmp4:
0x5b: {  	[tilespmem:v0+s18+$0xFFFFFFC0 ss:$0x1] =	vst.idx.msk $0xffff, v60;
	s22 =	simm.s32 @p1 $0x0;
	s19 =	sshrl.u32 s19, $0x3;
	(pc) =	sbr.rel .LBB1_5-.Ltmp4, $4  }
0x5c: {  	[tilespmem:v0+s18+$0xFFFFFFD0 ss:$0x1] =	vst.idx.msk $0xffff, v61;
	s21 =	sshrl.u32 s21, $0x3;
	s20 =	smul.u32 s22, s20;
	s22 =	sadd.s32 s2, s27  }
0x5d: {  	[tilespmem:v0+s18+$0xFFFFFFE0 ss:$0x1] =	vst.idx.msk $0xffff, v62;
	s29 =	sshll.u32 s28, $0x12;
	s19 =	sand.u32 $0x3C0, s19;
	s21 =	sadd.s32 s21, s22  }
0x5e: {  	[tilespmem:v0+s18+$0xFFFFFFF0 ss:$0x1] =	vst.idx.msk $0xffff, v63;
	s31 =	sor.u32 $0x80, s29;
	s30 =	sand.u32 $0x3FFFFFFF, s20;
	s19 =	sadd.s32 s19, s21  }
0x5f: {  	[hbm4b:s19+s31] =	stream.strided.scatter [tilespmem:s17], [sflag:$0x2], s30, s6, s31, $0x38;
	[tilespmem:$0x10000] =	vst v63  }
.LBB1_6:
0x60: {  	_ =	sfence.sel $0x180000  }
0x61: {  	s2 =	simm.s32 $0x1;
	[bflag:$0x0] =	sbarrier.arrive $0xFFFF  }
0x62: {  	s31 =	simm.s32 $0x2;
	[sflag:s2] =	ssyncpa.u1 $0x1  }
0x63: {  	[sflag:s31] =	ssyncpa.u1 $0x1  }
0x64: {  	p0 =	sne.s32 s1, $0x0;
	_ =	strace $0x90000047  }
0x65: {  	s0 =	sadd.s32 @!p0 $0x100000, s0;
	[bflag:$0x2] =	sbarrier.arrive $0xFFFF  }
0x66: {  	[sflag:s0] =	ssyncadd.tile.s32 @!p0 $0x1;
	_ =	shalt  }
.Lfunc_end1:
_tile_overlayer_lowered:
.L_overlay_start_2:
0x67: {  	(tag) =	ssettag $0x2  }
0x68: {  	s0 =	rddreg [dreg:$0x0];
	s2 =	stileid.u32  }
0x69: {  	s1 =	rddreg [dreg:$0x1];
	p0 =	sne.s32 s2, $0x0  }
0x6a: {  	s3 =	rddreg [dreg:$0x2];
	[bflag:$0x3] =	sbarrier.arrive $0xFFFF;
	s2 =	simm.s32 @!p0 $0x1C01  }
0x6b: {  	[timem:s3], [sflag:s2] =	dma.local @!p0 [hbm:s0], s1  }
0x6c: {  	s0 =	simm.s32 @!p0 $0x1  }
0x6d: {  	_ =	swait.ge @!p0 [sflag:s0], s1  }
0x6e: {  	s1 =	ssub.s32 @!p0 $0x0, s1;
	[sflag:s0] =	ssyncset.done @!p0 $0x0  }
0x6f: {  	[sflag:s0] =	ssyncadd.s32 @!p0 s1  }
0x70: {  	[bflag:$0x3] =	sbarrier.arrive $0xFFFF  }
0x71: {  	_ =	shalt  }

</sc_bundles>
